<compile_context>
chip_gen: v7x
topology: tpu7x:2x2x1
jax: 0.10.2.dev20260603
libtpu: 0.0.44.dev20260713+nightly
codegen_flags: <defaults>
</compile_context>

<pallas_src>
import functools

import jax
import jax.numpy as jnp
from jax import lax
from jax.experimental import pallas as pl
from jax.experimental.pallas import tpu as pltpu
from jax.experimental.pallas import tpu_sc as plsc

D_MODEL = 32
CHUNK = 1600
TILE_I = 128


@functools.partial(jax.jit, static_argnames=("b",))
def _gather_sc(idx_flat, table, b):
    info = plsc.get_sparse_core_info()
    nw = info.num_cores * info.num_subcores
    b_per_w = b // nw
    n_chunks = b_per_w // CHUNK
    assert n_chunks % 2 == 0
    mesh = plsc.VectorSubcoreMesh(core_axis_name="c", subcore_axis_name="s")

    @functools.partial(
        pl.kernel,
        mesh=mesh,
        out_type=jax.ShapeDtypeStruct((b, D_MODEL), jnp.float32),
        scratch_types=[
            pltpu.VMEM((CHUNK,), jnp.int32),
            pltpu.VMEM((CHUNK,), jnp.int32),
            pltpu.VMEM((CHUNK, D_MODEL), jnp.float32),
            pltpu.VMEM((CHUNK, D_MODEL), jnp.float32),
            pltpu.SemaphoreType.DMA,
            pltpu.SemaphoreType.DMA,
            pltpu.SemaphoreType.DMA,
            pltpu.SemaphoreType.DMA,
            pltpu.SemaphoreType.DMA,
            pltpu.SemaphoreType.DMA,
        ],
        compiler_params=pltpu.CompilerParams(use_tc_tiling_on_sc=False),
    )
    def k(idx_hbm, table_hbm, out_hbm, idx0, idx1, rows0, rows1,
          isem0, isem1, gsem0, gsem1, osem0, osem1):
        wid = lax.axis_index("s") * info.num_cores + lax.axis_index("c")
        base = wid * b_per_w
        idx_v = (idx0, idx1)
        rows_v = (rows0, rows1)
        isem = (isem0, isem1)
        gsem = (gsem0, gsem1)
        osem = (osem0, osem1)

        pltpu.async_copy(idx_hbm.at[pl.ds(base, CHUNK)], idx0, isem0)
        pltpu.async_copy(idx_hbm.at[pl.ds(base + CHUNK, CHUNK)], idx1, isem1)

        def body(h, carry):
            for bi in range(2):
                g = 2 * h + bi
                start = base + g * CHUNK
                pltpu.make_async_copy(
                    idx_hbm.at[pl.ds(start, CHUNK)], idx_v[bi], isem[bi]).wait()

                @pl.when(g >= 2)
                def _():
                    pltpu.make_async_copy(
                        rows_v[bi],
                        out_hbm.at[pl.ds(start - 2 * CHUNK, CHUNK)],
                        osem[bi]).wait()

                pltpu.async_copy(
                    table_hbm.at[idx_v[bi]], rows_v[bi], gsem[bi]).wait()

                @pl.when(g + 2 < n_chunks)
                def _():
                    pltpu.async_copy(
                        idx_hbm.at[pl.ds(start + 2 * CHUNK, CHUNK)],
                        idx_v[bi], isem[bi])

                pltpu.async_copy(
                    rows_v[bi], out_hbm.at[pl.ds(start, CHUNK)], osem[bi])
            return carry

        lax.fori_loop(0, n_chunks // 2, body, 0)

        last = base + (n_chunks - 2) * CHUNK
        pltpu.make_async_copy(
            rows0, out_hbm.at[pl.ds(last, CHUNK)], osem0).wait()
        pltpu.make_async_copy(
            rows1, out_hbm.at[pl.ds(last + CHUNK, CHUNK)], osem1).wait()

    return k(idx_flat, table)


@functools.partial(jax.jit, static_argnames=("s0", "s1"))
def _retile_sc(flat, s0, s1):
    info = plsc.get_sparse_core_info()
    nw = info.num_cores * info.num_subcores
    n_units = s1 * (s0 // TILE_I)
    units_per_w = n_units // nw
    unit_words = TILE_I * D_MODEL
    mesh = plsc.VectorSubcoreMesh(core_axis_name="c", subcore_axis_name="s")

    @functools.partial(
        pl.kernel,
        mesh=mesh,
        out_type=jax.ShapeDtypeStruct((s1, D_MODEL, s0), jnp.float32),
        scratch_types=[
            pltpu.VMEM((unit_words,), jnp.float32),
            pltpu.VMEM((unit_words,), jnp.float32),
            pltpu.VMEM((D_MODEL, TILE_I), jnp.float32),
            pltpu.VMEM((D_MODEL, TILE_I), jnp.float32),
            pltpu.SemaphoreType.DMA,
            pltpu.SemaphoreType.DMA,
            pltpu.SemaphoreType.DMA,
            pltpu.SemaphoreType.DMA,
        ],
        compiler_params=pltpu.CompilerParams(
            use_tc_tiling_on_sc=True, needs_layout_passes=False),
    )
    def k(flat_hbm, out_hbm, rows0, rows1, st0, st1,
          isem0, isem1, osem0, osem1):
        wid = lax.axis_index("s") * info.num_cores + lax.axis_index("c")
        u_base = wid * units_per_w
        rows_v = (rows0, rows1)
        stage = (st0, st1)
        isem = (isem0, isem1)
        osem = (osem0, osem1)
        lane = lax.iota(jnp.int32, 16)

        def copy_in(u, bi, wait):
            cp = pltpu.make_async_copy(
                flat_hbm.at[pl.ds(u * unit_words, unit_words)],
                rows_v[bi], isem[bi])
            cp.wait() if wait else cp.start()

        def copy_out(u, bi, wait):
            j = u // (s0 // TILE_I)
            it = u % (s0 // TILE_I)
            cp = pltpu.make_async_copy(
                stage[bi],
                out_hbm.at[j, pl.ds(0, D_MODEL), pl.ds(it * TILE_I, TILE_I)],
                osem[bi])
            cp.wait() if wait else cp.start()

        copy_in(u_base, 0, False)
        copy_in(u_base + 1, 1, False)

        def body(h, carry):
            for bi in range(2):
                u = u_base + 2 * h + bi
                copy_in(u, bi, True)

                @pl.when(2 * h + bi >= 2)
                def _():
                    copy_out(u - 2, bi, True)

                @plsc.parallel_loop(0, D_MODEL, step=1, unroll=4)
                def _(kk):
                    for s in range(TILE_I // 16):
                        il = s * 16 + lane
                        c = lax.bitwise_and(kk + il, D_MODEL - 1)
                        v = plsc.load_gather(rows_v[bi], [il * D_MODEL + c])
                        plsc.store_scatter(stage[bi], [c, il], v)

                @pl.when(2 * h + bi + 2 < units_per_w)
                def _():
                    copy_in(u + 2, bi, False)

                copy_out(u, bi, False)
            return carry

        lax.fori_loop(0, units_per_w // 2, body, 0)

        copy_out(u_base + units_per_w - 2, 0, True)
        copy_out(u_base + units_per_w - 1, 1, True)

    return k(flat)


def kernel(x, table):
    s0, s1 = x.shape
    b = s0 * s1
    idx_t = jnp.transpose(x).reshape(b).astype(jnp.int32)
    rows = _gather_sc(idx_t, table, b)
    out = _retile_sc(rows.reshape(-1), s0, s1)
    return jnp.transpose(out, (2, 0, 1))

# --- scband reference (transcript-rebuilt; emitter-appended) ---
"""Pipeline reference for scband-fixed-embedding-21311627722917 (READ-ONLY COPY).

The authoritative reference and input builder live on the scoring server;
editing this copy changes nothing except your own understanding.
"""

import jax, jax.numpy as jnp
import numpy as np
import math

C_IN = 100000
D_MODEL = 32


def _build_fixed_table():
    w = np.zeros((C_IN, D_MODEL), dtype=np.float32)
    position = np.arange(0, C_IN, dtype=np.float32)[:, None]
    div_term = np.exp(np.arange(0, D_MODEL, 2, dtype=np.float32) * -(math.log(10000.0) / D_MODEL))
    w[:, 0::2] = np.sin(position * div_term)
    w[:, 1::2] = np.cos(position * div_term)
    return jnp.asarray(w)


def setup_inputs(seed: int = 0) -> dict:
    key = jax.random.key(seed)
    x = jax.random.randint(key, (16384, 200), 0, C_IN, dtype=jnp.int32).astype(jnp.int64)
    table = _build_fixed_table()
    return {"x": x, "table": table}


def reference(x, table):
    # nn.Embedding lookup of the fixed sinusoidal table; .detach() has no
    # effect on the forward value.
    return jnp.take(table, x, axis=0)

if __name__ == "__main__":
    import jax
    _d = setup_inputs()
    print(jax.jit(kernel)(*tuple(_d.values())))

</pallas_src>

<mosaic_0001>
#map = affine_map<(d0, d1) -> (0)>
#map1 = affine_map<(d0, d1) -> (0, 0)>
module attributes {stable_mosaic.version = 14 : i64} {
  func.func @k(%arg0: i32, %arg1: i32, %arg2: memref<3276800xi32, #tpu.memory_space<hbm>>, %arg3: memref<100000x32xf32, #tpu.memory_space<hbm>>, %arg4: memref<3276800x32xf32, #tpu.memory_space<hbm>>, %arg5: memref<1600xi32, #tpu.memory_space<vmem>>, %arg6: memref<1600xi32, #tpu.memory_space<vmem>>, %arg7: memref<1600x32xf32, #tpu.memory_space<vmem>>, %arg8: memref<1600x32xf32, #tpu.memory_space<vmem>>, %arg9: memref<!tpu.dma_semaphore, #tpu.memory_space<semaphore_mem>>, %arg10: memref<!tpu.dma_semaphore, #tpu.memory_space<semaphore_mem>>, %arg11: memref<!tpu.dma_semaphore, #tpu.memory_space<semaphore_mem>>, %arg12: memref<!tpu.dma_semaphore, #tpu.memory_space<semaphore_mem>>, %arg13: memref<!tpu.dma_semaphore, #tpu.memory_space<semaphore_mem>>, %arg14: memref<!tpu.dma_semaphore, #tpu.memory_space<semaphore_mem>>) attributes {dimension_semantics = [#tpu.dimension_semantics<core_parallel>, #tpu.dimension_semantics<subcore_parallel>], iteration_bounds = array<i64: 2, 16>, scalar_prefetch = 0 : i64, scratch_operands = 10 : i64, tpu.core_type = #tpu.core_type<sc_vector_subcore>, window_params = [{transform_indices = #map}, {transform_indices = #map1}, {transform_indices = #map1}]} {
    %mul3A = arith.constant 2 : i32
    %mul3A_0 = arith.muli %arg1, %mul3A : i32
    %add3A = arith.addi %mul3A_0, %arg0 : i32
    %mul3A_1 = arith.constant 102400 : i32
    %mul3A_2 = arith.muli %add3A, %mul3A_1 : i32
    %dma_start3A = tpu.memref_slice %arg2[%mul3A_2] : memref<3276800xi32, #tpu.memory_space<hbm>> -> memref<1600xi32, #tpu.memory_space<hbm>>
    %dma_start3A_3 = tpu.memref_slice %arg2[%mul3A_2] : memref<3276800xi32, #tpu.memory_space<hbm>> -> memref<1600xi32, #tpu.memory_space<hbm>>
    tpu.enqueue_dma source(%dma_start3A_3 : memref<1600xi32, #tpu.memory_space<hbm>>) target(%arg5 : memref<1600xi32, #tpu.memory_space<vmem>>) target_semaphore(%arg9 : memref<!tpu.dma_semaphore, #tpu.memory_space<semaphore_mem>>)
    %add3A_4 = arith.constant 1600 : i32
    %add3A_5 = arith.addi %mul3A_2, %add3A_4 : i32
    %dma_start3A_6 = tpu.memref_slice %arg2[%add3A_5] : memref<3276800xi32, #tpu.memory_space<hbm>> -> memref<1600xi32, #tpu.memory_space<hbm>>
    %dma_start3A_7 = tpu.memref_slice %arg2[%add3A_5] : memref<3276800xi32, #tpu.memory_space<hbm>> -> memref<1600xi32, #tpu.memory_space<hbm>>
    tpu.enqueue_dma source(%dma_start3A_7 : memref<1600xi32, #tpu.memory_space<hbm>>) target(%arg6 : memref<1600xi32, #tpu.memory_space<vmem>>) target_semaphore(%arg10 : memref<!tpu.dma_semaphore, #tpu.memory_space<semaphore_mem>>)
    %scan3A = arith.constant 0 : i32
    %scan3A_8 = arith.constant 0 : i32
    %scan3A_9 = arith.constant 32 : i32
    %scan3A_10 = arith.addi %scan3A_8, %scan3A_9 : i32
    %scan3A_11 = arith.constant 1 : i32
    scf.for %scan3A_24 = %scan3A_8 to %scan3A_10 step %scan3A_11  : i32 {
      %mul3A_25 = arith.constant 2 : i32
      %mul3A_26 = arith.muli %mul3A_25, %scan3A_24 : i32
      %add3A_27 = arith.constant 0 : i32
      %add3A_28 = arith.addi %mul3A_26, %add3A_27 : i32
      %mul3A_29 = arith.constant 1600 : i32
      %mul3A_30 = arith.muli %add3A_28, %mul3A_29 : i32
      %add3A_31 = arith.addi %mul3A_2, %mul3A_30 : i32
      %dma_wait3A_32 = tpu.memref_slice %arg2[%add3A_31] : memref<3276800xi32, #tpu.memory_space<hbm>> -> memref<1600xi32, #tpu.memory_space<hbm>>
      %dma_wait3A_33 = tpu.memref_slice %arg2[%add3A_31] : memref<3276800xi32, #tpu.memory_space<hbm>> -> memref<1600xi32, #tpu.memory_space<hbm>>
      tpu.wait_dma2 semaphore(%arg9 : memref<!tpu.dma_semaphore, #tpu.memory_space<semaphore_mem>>) src(%dma_wait3A_33 : memref<1600xi32, #tpu.memory_space<hbm>>) dst(%arg5 : memref<1600xi32, #tpu.memory_space<vmem>>)
      %ge3A = arith.constant 2 : i32
      %ge3A_34 = arith.cmpi sge, %add3A_28, %ge3A : i32
      %convert_element_type3A = arith.extui %ge3A_34 : i1 to i32
      %cond3A = arith.constant 0 : i32
      %cond3A_35 = arith.cmpi ne, %convert_element_type3A, %cond3A : i32
      scf.if %cond3A_35 {
        %sub3A = arith.constant 3200 : i32
        %sub3A_83 = arith.subi %add3A_31, %sub3A : i32
        %dma_wait3A_84 = arith.constant 0 : i32
        %dma_wait3A_85 = tpu.memref_slice %arg4[%sub3A_83, %dma_wait3A_84] : memref<3276800x32xf32, #tpu.memory_space<hbm>> -> memref<1600x32xf32, #tpu.memory_space<hbm>>
        %dma_wait3A_86 = arith.constant 0 : i32
        %dma_wait3A_87 = tpu.memref_slice %arg4[%sub3A_83, %dma_wait3A_86] : memref<3276800x32xf32, #tpu.memory_space<hbm>> -> memref<1600x32xf32, #tpu.memory_space<hbm>>
        tpu.wait_dma2 semaphore(%arg13 : memref<!tpu.dma_semaphore, #tpu.memory_space<semaphore_mem>>) src(%arg7 : memref<1600x32xf32, #tpu.memory_space<vmem>>) dst(%dma_wait3A_87 : memref<1600x32xf32, #tpu.memory_space<hbm>>)
      } else {
      }
      %dma_start3A_36 = arith.constant 0 : i32
      %dma_start3A_37 = arith.constant 0 : i32
      %dma_start3A_38 = tpu.memref_slice %arg3[%dma_start3A_36, %dma_start3A_37] : memref<100000x32xf32, #tpu.memory_space<hbm>> -> memref<100000x32xf32, #tpu.memory_space<hbm>>
      tpu.enqueue_indirect_dma source(%dma_start3A_38 : memref<100000x32xf32, #tpu.memory_space<hbm>>) target(%arg7 : memref<1600x32xf32, #tpu.memory_space<vmem>>) offsets(%arg5 : memref<1600xi32, #tpu.memory_space<vmem>>) semaphore(%arg11 : memref<!tpu.dma_semaphore, #tpu.memory_space<semaphore_mem>>)
      %dma_wait3A_39 = arith.constant 0 : i32
      %dma_wait3A_40 = arith.constant 0 : i32
      %dma_wait3A_41 = tpu.memref_slice %arg3[%dma_wait3A_39, %dma_wait3A_40] : memref<100000x32xf32, #tpu.memory_space<hbm>> -> memref<100000x32xf32, #tpu.memory_space<hbm>>
      tpu.wait_indirect_dma semaphore(%arg11 : memref<!tpu.dma_semaphore, #tpu.memory_space<semaphore_mem>>) src(%dma_wait3A_41 : memref<100000x32xf32, #tpu.memory_space<hbm>>) dst(%arg7 : memref<1600x32xf32, #tpu.memory_space<vmem>>)
      %add3A_42 = arith.constant 2 : i32
      %add3A_43 = arith.addi %add3A_28, %add3A_42 : i32
      %lt3A = arith.constant 64 : i32
      %lt3A_44 = arith.cmpi slt, %add3A_43, %lt3A : i32
      %convert_element_type3A_45 = arith.extui %lt3A_44 : i1 to i32
      %cond3A_46 = arith.constant 0 : i32
      %cond3A_47 = arith.cmpi ne, %convert_element_type3A_45, %cond3A_46 : i32
      scf.if %cond3A_47 {
        %add3A_83 = arith.constant 3200 : i32
        %add3A_84 = arith.addi %add3A_31, %add3A_83 : i32
        %dma_start3A_85 = tpu.memref_slice %arg2[%add3A_84] : memref<3276800xi32, #tpu.memory_space<hbm>> -> memref<1600xi32, #tpu.memory_space<hbm>>
        %dma_start3A_86 = tpu.memref_slice %arg2[%add3A_84] : memref<3276800xi32, #tpu.memory_space<hbm>> -> memref<1600xi32, #tpu.memory_space<hbm>>
        tpu.enqueue_dma source(%dma_start3A_86 : memref<1600xi32, #tpu.memory_space<hbm>>) target(%arg5 : memref<1600xi32, #tpu.memory_space<vmem>>) target_semaphore(%arg9 : memref<!tpu.dma_semaphore, #tpu.memory_space<semaphore_mem>>)
      } else {
      }
      %dma_start3A_48 = arith.constant 0 : i32
      %dma_start3A_49 = tpu.memref_slice %arg4[%add3A_31, %dma_start3A_48] : memref<3276800x32xf32, #tpu.memory_space<hbm>> -> memref<1600x32xf32, #tpu.memory_space<hbm>>
      %dma_start3A_50 = arith.constant 0 : i32
      %dma_start3A_51 = tpu.memref_slice %arg4[%add3A_31, %dma_start3A_50] : memref<3276800x32xf32, #tpu.memory_space<hbm>> -> memref<1600x32xf32, #tpu.memory_space<hbm>>
      tpu.enqueue_dma source(%arg7 : memref<1600x32xf32, #tpu.memory_space<vmem>>) target(%dma_start3A_51 : memref<1600x32xf32, #tpu.memory_space<hbm>>) target_semaphore(%arg13 : memref<!tpu.dma_semaphore, #tpu.memory_space<semaphore_mem>>)
      %mul3A_52 = arith.constant 2 : i32
      %mul3A_53 = arith.muli %mul3A_52, %scan3A_24 : i32
      %add3A_54 = arith.constant 1 : i32
      %add3A_55 = arith.addi %mul3A_53, %add3A_54 : i32
      %mul3A_56 = arith.constant 1600 : i32
      %mul3A_57 = arith.muli %add3A_55, %mul3A_56 : i32
      %add3A_58 = arith.addi %mul3A_2, %mul3A_57 : i32
      %dma_wait3A_59 = tpu.memref_slice %arg2[%add3A_58] : memref<3276800xi32, #tpu.memory_space<hbm>> -> memref<1600xi32, #tpu.memory_space<hbm>>
      %dma_wait3A_60 = tpu.memref_slice %arg2[%add3A_58] : memref<3276800xi32, #tpu.memory_space<hbm>> -> memref<1600xi32, #tpu.memory_space<hbm>>
      tpu.wait_dma2 semaphore(%arg10 : memref<!tpu.dma_semaphore, #tpu.memory_space<semaphore_mem>>) src(%dma_wait3A_60 : memref<1600xi32, #tpu.memory_space<hbm>>) dst(%arg6 : memref<1600xi32, #tpu.memory_space<vmem>>)
      %ge3A_61 = arith.constant 2 : i32
      %ge3A_62 = arith.cmpi sge, %add3A_55, %ge3A_61 : i32
      %convert_element_type3A_63 = arith.extui %ge3A_62 : i1 to i32
      %cond3A_64 = arith.constant 0 : i32
      %cond3A_65 = arith.cmpi ne, %convert_element_type3A_63, %cond3A_64 : i32
      scf.if %cond3A_65 {
        %sub3A = arith.constant 3200 : i32
        %sub3A_83 = arith.subi %add3A_58, %sub3A : i32
        %dma_wait3A_84 = arith.constant 0 : i32
        %dma_wait3A_85 = tpu.memref_slice %arg4[%sub3A_83, %dma_wait3A_84] : memref<3276800x32xf32, #tpu.memory_space<hbm>> -> memref<1600x32xf32, #tpu.memory_space<hbm>>
        %dma_wait3A_86 = arith.constant 0 : i32
        %dma_wait3A_87 = tpu.memref_slice %arg4[%sub3A_83, %dma_wait3A_86] : memref<3276800x32xf32, #tpu.memory_space<hbm>> -> memref<1600x32xf32, #tpu.memory_space<hbm>>
        tpu.wait_dma2 semaphore(%arg14 : memref<!tpu.dma_semaphore, #tpu.memory_space<semaphore_mem>>) src(%arg8 : memref<1600x32xf32, #tpu.memory_space<vmem>>) dst(%dma_wait3A_87 : memref<1600x32xf32, #tpu.memory_space<hbm>>)
      } else {
      }
      %dma_start3A_66 = arith.constant 0 : i32
      %dma_start3A_67 = arith.constant 0 : i32
      %dma_start3A_68 = tpu.memref_slice %arg3[%dma_start3A_66, %dma_start3A_67] : memref<100000x32xf32, #tpu.memory_space<hbm>> -> memref<100000x32xf32, #tpu.memory_space<hbm>>
      tpu.enqueue_indirect_dma source(%dma_start3A_68 : memref<100000x32xf32, #tpu.memory_space<hbm>>) target(%arg8 : memref<1600x32xf32, #tpu.memory_space<vmem>>) offsets(%arg6 : memref<1600xi32, #tpu.memory_space<vmem>>) semaphore(%arg12 : memref<!tpu.dma_semaphore, #tpu.memory_space<semaphore_mem>>)
      %dma_wait3A_69 = arith.constant 0 : i32
      %dma_wait3A_70 = arith.constant 0 : i32
      %dma_wait3A_71 = tpu.memref_slice %arg3[%dma_wait3A_69, %dma_wait3A_70] : memref<100000x32xf32, #tpu.memory_space<hbm>> -> memref<100000x32xf32, #tpu.memory_space<hbm>>
      tpu.wait_indirect_dma semaphore(%arg12 : memref<!tpu.dma_semaphore, #tpu.memory_space<semaphore_mem>>) src(%dma_wait3A_71 : memref<100000x32xf32, #tpu.memory_space<hbm>>) dst(%arg8 : memref<1600x32xf32, #tpu.memory_space<vmem>>)
      %add3A_72 = arith.constant 2 : i32
      %add3A_73 = arith.addi %add3A_55, %add3A_72 : i32
      %lt3A_74 = arith.constant 64 : i32
      %lt3A_75 = arith.cmpi slt, %add3A_73, %lt3A_74 : i32
      %convert_element_type3A_76 = arith.extui %lt3A_75 : i1 to i32
      %cond3A_77 = arith.constant 0 : i32
      %cond3A_78 = arith.cmpi ne, %convert_element_type3A_76, %cond3A_77 : i32
      scf.if %cond3A_78 {
        %add3A_83 = arith.constant 3200 : i32
        %add3A_84 = arith.addi %add3A_58, %add3A_83 : i32
        %dma_start3A_85 = tpu.memref_slice %arg2[%add3A_84] : memref<3276800xi32, #tpu.memory_space<hbm>> -> memref<1600xi32, #tpu.memory_space<hbm>>
        %dma_start3A_86 = tpu.memref_slice %arg2[%add3A_84] : memref<3276800xi32, #tpu.memory_space<hbm>> -> memref<1600xi32, #tpu.memory_space<hbm>>
        tpu.enqueue_dma source(%dma_start3A_86 : memref<1600xi32, #tpu.memory_space<hbm>>) target(%arg6 : memref<1600xi32, #tpu.memory_space<vmem>>) target_semaphore(%arg10 : memref<!tpu.dma_semaphore, #tpu.memory_space<semaphore_mem>>)
      } else {
      }
      %dma_start3A_79 = arith.constant 0 : i32
      %dma_start3A_80 = tpu.memref_slice %arg4[%add3A_58, %dma_start3A_79] : memref<3276800x32xf32, #tpu.memory_space<hbm>> -> memref<1600x32xf32, #tpu.memory_space<hbm>>
      %dma_start3A_81 = arith.constant 0 : i32
      %dma_start3A_82 = tpu.memref_slice %arg4[%add3A_58, %dma_start3A_81] : memref<3276800x32xf32, #tpu.memory_space<hbm>> -> memref<1600x32xf32, #tpu.memory_space<hbm>>
      tpu.enqueue_dma source(%arg8 : memref<1600x32xf32, #tpu.memory_space<vmem>>) target(%dma_start3A_82 : memref<1600x32xf32, #tpu.memory_space<hbm>>) target_semaphore(%arg14 : memref<!tpu.dma_semaphore, #tpu.memory_space<semaphore_mem>>)
    }
    %scan3A_12 = arith.constant 32 : i32
    %add3A_13 = arith.constant 99200 : i32
    %add3A_14 = arith.addi %mul3A_2, %add3A_13 : i32
    %dma_wait3A = arith.constant 0 : i32
    %dma_wait3A_15 = tpu.memref_slice %arg4[%add3A_14, %dma_wait3A] : memref<3276800x32xf32, #tpu.memory_space<hbm>> -> memref<1600x32xf32, #tpu.memory_space<hbm>>
    %dma_wait3A_16 = arith.constant 0 : i32
    %dma_wait3A_17 = tpu.memref_slice %arg4[%add3A_14, %dma_wait3A_16] : memref<3276800x32xf32, #tpu.memory_space<hbm>> -> memref<1600x32xf32, #tpu.memory_space<hbm>>
    tpu.wait_dma2 semaphore(%arg13 : memref<!tpu.dma_semaphore, #tpu.memory_space<semaphore_mem>>) src(%arg7 : memref<1600x32xf32, #tpu.memory_space<vmem>>) dst(%dma_wait3A_17 : memref<1600x32xf32, #tpu.memory_space<hbm>>)
    %add3A_18 = arith.constant 1600 : i32
    %add3A_19 = arith.addi %add3A_14, %add3A_18 : i32
    %dma_wait3A_20 = arith.constant 0 : i32
    %dma_wait3A_21 = tpu.memref_slice %arg4[%add3A_19, %dma_wait3A_20] : memref<3276800x32xf32, #tpu.memory_space<hbm>> -> memref<1600x32xf32, #tpu.memory_space<hbm>>
    %dma_wait3A_22 = arith.constant 0 : i32
    %dma_wait3A_23 = tpu.memref_slice %arg4[%add3A_19, %dma_wait3A_22] : memref<3276800x32xf32, #tpu.memory_space<hbm>> -> memref<1600x32xf32, #tpu.memory_space<hbm>>
    tpu.wait_dma2 semaphore(%arg14 : memref<!tpu.dma_semaphore, #tpu.memory_space<semaphore_mem>>) src(%arg8 : memref<1600x32xf32, #tpu.memory_space<vmem>>) dst(%dma_wait3A_23 : memref<1600x32xf32, #tpu.memory_space<hbm>>)
    return
  }
}

</mosaic_0001>

<sc_bundles>
// kernel: _gather_sc.3.cloned.1.call-start
scs
__scs_entry_jumppad:
0x0: {  	(pc) =	sbr.rel $0x88, $3  }
0x1: {  	(tag) =	ssettag $0x0;
	lr =	simm.s32 $0x1  }
0x2: {  	[smem:$0x3F9F] =	sst lr;
	_ =	strace $0xD0000000  }
0x3: {  	_ = 	snop  }
0x4: {  	_ = 	snop  }
0x5: {  	_ = 	snop  }
0x6: {  	_ = 	snop  }
0x7: {  	_ = 	snop  }
__scs_overlays_trampoline_lowered:
0x8: {  	[smem:$0x3FAE] =	sst s0  }
0x9: {  	[smem:$0x3FAF] =	sst s1  }
0xa: {  	[smem:$0x3FB0] =	sst s2  }
0xb: {  	[smem:$0x3FB1] =	sst s3  }
0xc: {  	[smem:$0x3FB2] =	sst s4  }
0xd: {  	[smem:$0x3FB3] =	sst s5  }
0xe: {  	[smem:$0x3FB4] =	sst s6  }
0xf: {  	[smem:$0x3FB5] =	sst s7  }
0x10: {  	[smem:$0x3FB6] =	sst s8  }
0x11: {  	[smem:$0x3FB7] =	sst s9;
	s0 =	simm.s32 @!p0 $0x0  }
0x12: {  	s1 =	sld [smem:$0x3F9D];
	s0 =	simm.s32 @p0 $0x1  }
0x13: {  	[smem:$0x3FB8] =	sst s0;
	s0 =	simm.s32 @!p1 $0x0  }
0x14: {  	s2 =	sld [smem:$0x3F9C];
	s0 =	simm.s32 @p1 $0x1  }
0x15: {  	[smem:$0x3FB9] =	sst s0;
	s0 =	simm.s32 @!p2 $0x0  }
0x16: {  	s3 =	sld [smem:$0x3FDB];
	s0 =	simm.s32 @p2 $0x1  }
0x17: {  	s4 =	simm.s32 $0x1BF5;
	[smem:$0x3FBB] =	sst s0  }
0x18: {  	s0 =	sld [smem:$0x3F9E];
	_ =	swait.ge [sflag:s4], $0x0  }
0x19: {  	s7 =	sld [smem:$0x3F9F]  }
0x1a: {  	s8 =	sadd.s32 $0xFFFFE003, lr  }
0x1b: {  	s9 =	sadd.s32 $0xFFFFFEF7, lr;
	s5 =	simm.s32 $0xFFFFFFFF;
	p2 =	slt.u32 s8, $0xFFFFF086  }
0x1c: {  	p1 =	slt.u32 s9, $0xF7A;
	s5 =	simm.s32 @!p2 $0x0  }
0x1d: {  	s5 =	simm.s32 @p1 $0x1;
	p0 =	seq.s32 s7, s2  }
0x1e: {  	s7 =	smul.u32 @!p0 $0xF7A, s2;
	p2 =	seq.s32 @!p0 s5, $0x0  }
0x1f: {  	s9 =	smul.u32 $0xF7A, s1;
	s8 =	simm.s32 @!p0 $0x1BF5;
	p2 =	por !p2, p0  }
0x20: {  	[sflag:s8] =	ssyncset.s32 @!p0 $0xFFFFF086;
	s6 =	sadd.s32 @!p0 s3, s7;
	s7 =	simm.s32 @!p0 $0x108  }
0x21: {  	s3 =	sadd.s32 s3, s9;
	s6 =	sadd.s32 @!p0 $0x88, s6;
	s7 =	simm.s32 @p2 $0x1082  }
0x22: {  	[simem:s7], [sflag:s8] =	dma.local @!p0 [hbm:s6], $0xF7A  }
0x23: {  	s9 =	sor.u32 $0xD0000000, s2;
	s6 =	simm.s32 $0x108;
	_ =	swait.ge @!p0 [sflag:s8], $0x0  }
0x24: {  	s3 =	sadd.s32 $0x88, s3;
	s6 =	simm.s32 @!p1 $0x1082;
	[sflag:s4] =	ssyncset.s32 $0xFFFFF086  }
0x25: {  	[simem:s6], [sflag:s4] =	dma.local [hbm:s3], $0xF7A  }
0x26: {  	[smem:$0x3F9F] =	sst s1;
	(tag) =	ssettag s2;
	_ =	strace s9  }
0x27: {  	s1 =	sld [smem:$0x3FAF]  }
0x28: {  	s2 =	sld [smem:$0x3FB0]  }
0x29: {  	s4 =	sld [smem:$0x3FB2]  }
0x2a: {  	p0 =	seq.s32 s5, $0x0;
	s5 =	sld [smem:$0x3FB3]  }
0x2b: {  	s6 =	sld [smem:$0x3FB4]  }
0x2c: {  	s7 =	sld [smem:$0x3FB5]  }
0x2d: {  	s3 =	simm.s32 $0x108;
	s8 =	sld [smem:$0x3FB6]  }
0x2e: {  	s3 =	simm.s32 @!p0 $0x1082;
	s9 =	sld [smem:$0x3FB7]  }
0x2f: {  	lr =	sadd.s32 s0, s3;
	s0 =	sld [smem:$0x3FAE]  }
0x30: {  	s3 =	sld [smem:$0x3FB1]  }
0x31: {  	[smem:$0x3FBA] =	sst s10  }
0x32: {  	s10 =	sld [smem:$0x3FB8];
	_ =	sdelay $0x3  }
0x33: {  	p0 =	seq.s32 s10, $0x1;
	s10 =	sld [smem:$0x3FBA];
	_ =	sdelay $0x3  }
0x34: {  	[smem:$0x3FBA] =	sst s10  }
0x35: {  	s10 =	sld [smem:$0x3FB9];
	_ =	sdelay $0x3  }
0x36: {  	p1 =	seq.s32 s10, $0x1;
	s10 =	sld [smem:$0x3FBA];
	_ =	sdelay $0x3  }
0x37: {  	[smem:$0x3FBA] =	sst s10  }
0x38: {  	s10 =	sld [smem:$0x3FBB]  }
0x39: {  	_ = 	snop;
	(pc) =	sbr.ind lr, $3  }
0x3a: {  	_ = 	snop  }
0x3b: {  	_ = 	snop  }
0x3c: {  	p2 =	seq.s32 s10, $0x1;
	s10 =	sld [smem:$0x3FBA]  }
0x3d: {  	_ =	shalt  }
0x3e: {  	_ =	shalt  }
0x3f: {  	_ =	shalt  }
0x40: {  	_ =	shalt  }
0x41: {  	_ =	shalt  }
0x42: {  	_ =	shalt  }
0x43: {  	_ =	shalt  }
0x44: {  	_ =	shalt  }
0x45: {  	_ =	shalt  }
0x46: {  	_ =	shalt  }
0x47: {  	_ =	shalt  }
0x48: {  	_ =	shalt  }
0x49: {  	_ =	shalt  }
0x4a: {  	_ =	shalt  }
0x4b: {  	_ =	shalt  }
0x4c: {  	_ =	shalt  }
0x4d: {  	_ =	shalt  }
0x4e: {  	_ =	shalt  }
0x4f: {  	_ =	shalt  }
0x50: {  	_ =	shalt  }
0x51: {  	_ =	shalt  }
0x52: {  	_ =	shalt  }
0x53: {  	_ =	shalt  }
0x54: {  	_ =	shalt  }
0x55: {  	_ =	shalt  }
0x56: {  	_ =	shalt  }
0x57: {  	_ =	shalt  }
0x58: {  	_ =	shalt  }
0x59: {  	_ =	shalt  }
0x5a: {  	_ =	shalt  }
0x5b: {  	_ =	shalt  }
0x5c: {  	_ =	shalt  }
0x5d: {  	_ =	shalt  }
0x5e: {  	_ =	shalt  }
0x5f: {  	_ =	shalt  }
0x60: {  	_ =	shalt  }
0x61: {  	_ =	shalt  }
0x62: {  	_ =	shalt  }
0x63: {  	_ =	shalt  }
0x64: {  	_ =	shalt  }
0x65: {  	_ =	shalt  }
0x66: {  	_ =	shalt  }
0x67: {  	_ =	shalt  }
0x68: {  	_ =	shalt  }
0x69: {  	_ =	shalt  }
0x6a: {  	_ =	shalt  }
0x6b: {  	_ =	shalt  }
0x6c: {  	_ =	shalt  }
0x6d: {  	_ =	shalt  }
0x6e: {  	_ =	shalt  }
0x6f: {  	_ =	shalt  }
0x70: {  	_ =	shalt  }
0x71: {  	_ =	shalt  }
0x72: {  	_ =	shalt  }
0x73: {  	_ =	shalt  }
0x74: {  	_ =	shalt  }
0x75: {  	_ =	shalt  }
0x76: {  	_ =	shalt  }
0x77: {  	_ =	shalt  }
0x78: {  	_ =	shalt  }
0x79: {  	_ =	shalt  }
0x7a: {  	_ =	shalt  }
0x7b: {  	_ =	shalt  }
0x7c: {  	_ =	shalt  }
0x7d: {  	_ =	shalt  }
0x7e: {  	_ =	shalt  }
0x7f: {  	_ =	shalt  }
0x80: {  	_ =	shalt  }
0x81: {  	_ =	shalt  }
0x82: {  	_ =	shalt  }
0x83: {  	_ =	shalt  }
0x84: {  	_ =	shalt  }
0x85: {  	_ =	shalt  }
0x86: {  	_ =	shalt  }
0x87: {  	_ =	shalt  }
.Lfunc_end0:
.L_simem_size_0:
called_computation.1_lowered:
.L_overlay_start_0:
0x88: {  	s2 =	sld [smem:$0x3FD9]  }
0x89: {  	s3 =	sld [smem:$0x3FFE];
	_ =	sdelay $0x1  }
0x8a: {  	s1 =	srdreg.scid  }
0x8b: {  	s0 =	sand.u32 $0x1, s1  }
0x8c: {  	s17 =	sshll.u32 s0, $0xA;
	s2 =	sadd.s32 s3, s2  }
0x8d: {  	s2 =	sadd.s32 s2, s17  }
0x8e: {  	[smem:$0x3FC6] =	sst s2  }
0x8f: {  	_ = 	snop  }
0x90: {  	s2 =	sld [smem:$0x3FC9]  }
0x91: {  	s18 =	sld [smem:$0x3FD0];
	(tm) =	ssettm $0x1  }
0x92: {  	s4 =	sld [smem:$0x3FFB];
	_ =	sdelay $0x3  }
0x93: {  	_ =	strace s4  }
0x94: {  	s4 =	sld [smem:$0x3FFC];
	_ =	sdelay $0x3  }
0x95: {  	_ =	strace s4  }
0x96: {  	s4 =	sld [smem:$0x3FFD];
	_ =	sdelay $0x3  }
0x97: {  	_ =	strace s4  }
0x98: {  	_ =	strace $0x8FFFFFFF  }
0x99: {  	s19 =	sld [smem:$0x3FDB];
	_ =	sdelay $0x1  }
0x9a: {  	s5 =	simm.s32 $_scs_section_size  }
0x9b: {  	s6 =	simm.s32 $_size__tile_overlayer_lowered;
	s7 =	simm.s32 $_tile_overlayer_lowered  }
0x9c: {  	s22 =	simm.s32 $0x1BFF;
	s21 =	sshll.u32 s7, $0x1;
	s4 =	sadd.s32 s5, s19  }
0x9d: {  	s8 =	simm.s32 $0x0;
	s20 =	sshll.u32 s6, $0x1;
	s6 =	sadd.s32 s21, s4  }
0x9e: {  	[timem:s8], [sflag:s22] =	dma.local [hbm:s6], s20  }
0x9f: {  	_ =	swait.ge [sflag:s22], s20  }
0xa0: {  	s5 =	ssub.s32 $0x0, s20;
	[sflag:s22] =	ssyncset.done $0x0  }
0xa1: {  	[sflag:s22] =	ssyncadd.s32 s5;
	_ =	sdelay $0x1  }
0xa2: {  	s23 =	simm.s32 $0x1B8B  }
0xa3: {  	_ =	swait.ge [sflag:s23], $0x1  }
0xa4: {  	[sflag:s23] =	ssyncset.done $0x0  }
0xa5: {  	s25 =	simm.s32 $0x1B8E;
	s24 =	sld [smem:$0x3FFE];
	[sflag:s23] =	ssyncadd.s32 $0xFFFFFFFF  }
0xa6: {  	s26 =	simm.s32 $execute0_lowered;
	[smem:$0x3FD2] =	sst s25  }
0xa7: {  	s6 =	sshll.u32 s26, $0x1;
	_ =	strace $0x80000046;
	[dreg:$0x1] =	wrdreg $0xFFFFFFFF  }
0xa8: {  	s28 =	simm.s32 $_size_execute0_lowered;
	s4 =	sadd.s32 s4, s6;
	[dreg:$0x0] =	wrdreg $0x0  }
0xa9: {  	s6 =	sshll.u32 s28, $0x1;
	[dreg:$0x2] =	wrdreg s4  }
0xaa: {  	[dreg:$0x3] =	wrdreg s6  }
0xab: {  	[dreg:$0x4] =	wrdreg $0xC0  }
0xac: {  	_ =	task [dreg:s8], $0x5FFFF  }
0xad: {  	[dreg:$0x1] =	wrdreg $0xFFFFFFFF  }
0xae: {  	[dreg:$0x0] =	wrdreg $0x60  }
0xaf: {  	[dreg:$0x2] =	wrdreg s2  }
0xb0: {  	[dreg:$0x3] =	wrdreg s24  }
0xb1: {  	[dreg:$0x4] =	wrdreg s18  }
0xb2: {  	[dreg:$0x5] =	wrdreg $0x9  }
0xb3: {  	_ =	task.clear_ibuf [dreg:s8], $0x6FFFF;
	_ =	strace $0x90000046  }
0xb4: {  	s29 =	simm.s32 $0x9;
	_ =	strace $0x80000048  }
0xb5: {  	_ =	swait.ge [sflag:s29], $0x1  }
0xb6: {  	[sflag:s29] =	ssyncadd.s32 $0xFFFFFFFF  }
0xb7: {  	_ =	strace $0x90000048  }
0xb8: {  	_ =	sfence  }
0xb9: {  	s30 =	sld [smem:$0x0];
	_ =	sdelay $0x2  }
0xba: {  	s31 =	sshll.u32 s1, $0xD;
	s1 =	sshrl.u32 s1, $0x2  }
0xbb: {  	s3 =	sand.u32 $0x4000, s31;
	s1 =	sadd.s32 s1, s30  }
0xbc: {  	s0 =	sor.u32 s3, s0;
	s1 =	sshll.u32 s1, $0x11  }
0xbd: {  	s0 =	sor.u32 s1, s0  }
0xbe: {  	s0 =	sadd.s32 $0x8F2B, s0  }
0xbf: {  	[sflag:s0] =	ssyncadd.remote.s32 $0x1  }
0xc0: {  	_ =	sfence.sel $0xFFFF  }
0xc1: {  	[dreg:$0x0] =	wrdreg $0xFFFFFFFF;
	(pc) =	sbr.abs _section_cstart, $3  }
0xc2: {  	[dreg:$0x1] =	wrdreg $0xFFFFFFFF  }
0xc3: {  	_ =	task.clear_ibuf [dreg:s8], $0x2FFFF;
	_ =	strace $0x9FFFFFFF  }
0xc4: {  	(tm) =	ssettm $0x7FFFFFFF  }
0xc5: {  	_ =	shalt  }
tec
execute0_lowered:
.L_overlay_start_1:
0x0: {  	(tag) =	ssettag $0x1  }
0x1: {  	s16 =	rddreg [dreg:$0x0]  }
0x2: {  	s3 =	rddreg [dreg:$0x1];
	s1 =	srdreg.scid  }
0x3: {  	s0 =	stileid.u32;
	s14 =	rddreg [dreg:$0x2]  }
0x4: {  	s2 =	simm.s32 $0x0;
	s20 =	simm.s32 $0x3;
	s21 =	simm.s32 $0x2  }
0x5: {  	s22 =	simm.s32 $0xD480;
	s23 =	simm.s32 $0x4;
	s24 =	simm.s32 $0x5  }
0x6: {  	s25 =	simm.s32 $0x6;
	s26 =	simm.s32 $0x0;
	s10 =	smul.u32 $0x32000, s0  }
0x7: {  	s15 =	sand.u32 $0x1, s1;
	s4 =	sshll.u32 s0, $0x1;
	s18 =	smul.u32 $0xC8000, s0  }
0x8: {  	[smem:$0x7FF] =	sst s2;
	s3 =	sadd.s32 $0x800, s3;
	s12 =	smul.u32 $0x19000, s15  }
0x9: {  	s4 =	sor.u32 s15, s4;
	s5 =	ssub.s32 $0x2, s15;
	s15 =	smul.u32 $0x64000, s15  }
0xa: {  	_ =	strace $0x80000047;
	s6 =	smul.u32 $0x19000, s4;
	s7 =	sshrl.u32 s5, $0x1  }
0xb: {  	s9 =	smul.u32 $0x64000, s4;
	s18 =	sadd.s32 s18, s14;
	s7 =	ssub.s32 s5, s7  }
0xc: {  	s17 =	sadd.s32 s12, s10;
	s15 =	sadd.s32 s15, s18;
	s18 =	simm.s32 $0x1  }
0xd: {  	s8 =	sshrl.u32 s6, $0x3;
	s11 =	sshll.u32 s6, $0x2;
	s6 =	smax.u32 s7, $0x1  }
0xe: {  	s13 =	sshll.u32 s17, $0x2;
	s19 =	sadd.s32 $0x1F40, s17;
	s17 =	sadd.s32 $0x1900, s17  }
0xf: {  	s15 =	sadd.s32 $0x3200, s15;
	s4 =	sadd.s32 s16, s8;
	s8 =	sadd.s32 s14, s9  }
0x10: {  	s11 =	sadd.s32 s11, s14;
	s13 =	sadd.s32 s14, s13;
	s19 =	sshrl.u32 s19, $0x3  }
0x11: {  	s17 =	sshrl.u32 s17, $0x3;
	s5 =	sadd.s32 $0xC8, s4;
	s7 =	sadd.s32 $0x190, s4  }
0x12: {  	s9 =	sadd.s32 $0x258, s4;
	s10 =	sadd.s32 $0x1900, s11;
	s11 =	sadd.s32 $0x60E00, s8  }
0x13: {  	s12 =	sadd.s32 $0x62700, s8;
	s13 =	sadd.s32 $0x4B00, s13;
	s14 =	sadd.s32 s19, s16  }
0x14: {  	s16 =	sadd.s32 s17, s16;
	s17 =	simm.s32 $0x640;
	s19 =	simm.s32 $0xC80  }
.LBB2_1:
0x15: {  	[tilespmem:s2], [sflag:$0x1] =	stream.linear.gather [hbm4b:s4+s2], $0x640, $0x38;
	[tilespmem:$0x19C80] =	vst v63  }
0x16: {  	_ = 	snop  }
0x17: {  	[tilespmem:s17], [sflag:$0x2] =	stream.linear.gather [hbm4b:s5+s2], $0x640, $0x38;
	[tilespmem:$0x19C80] =	vst v63  }
0x18: {  	_ =	swait.ge [sflag:s18], $0x640  }
0x19: {  	[sflag:s18] =	ssyncset.done $0x0  }
0x1a: {  	[sflag:s18] =	ssyncadd.s32 $0xFFFFF9C0  }
0x1b: {  	[tilespmem:s19], [sflag:$0x3] =	stream.indirect.gather [hbm4b:s3+s17], $0x20, s2, s17, $0xb8;
	[tilespmem:$0x19C80] =	vst v63  }
0x1c: {  	_ =	swait.ge [sflag:s20], $0xC800  }
0x1d: {  	[sflag:s20] =	ssyncset.done $0x0  }
0x1e: {  	[sflag:s20] =	ssyncadd.s32 $0xFFFF3800  }
0x1f: {  	[tilespmem:s2], [sflag:$0x1] =	stream.linear.gather [hbm4b:s7+s2], $0x640, $0x38;
	[tilespmem:$0x19C80] =	vst v63  }
0x20: {  	_ = 	snop  }
0x21: {  	[hbm4b:s8+s2] =	stream.linear.scatter [tilespmem:s19], [sflag:$0x5], $0xC800, $0x38;
	[tilespmem:$0x19C80] =	vst v63  }
0x22: {  	_ =	swait.ge [sflag:s21], $0x640  }
0x23: {  	[sflag:s21] =	ssyncset.done $0x0  }
0x24: {  	[sflag:s21] =	ssyncadd.s32 $0xFFFFF9C0  }
0x25: {  	[tilespmem:s22], [sflag:$0x4] =	stream.indirect.gather [hbm4b:s3+s17], $0x20, s17, s17, $0xb8;
	[tilespmem:$0x19C80] =	vst v63  }
0x26: {  	_ =	swait.ge [sflag:s23], $0xC800  }
0x27: {  	[sflag:s23] =	ssyncset.done $0x0  }
0x28: {  	[sflag:s23] =	ssyncadd.s32 $0xFFFF3800  }
0x29: {  	[tilespmem:s17], [sflag:$0x2] =	stream.linear.gather [hbm4b:s9+s2], $0x640, $0x38;
	[tilespmem:$0x19C80] =	vst v63  }
0x2a: {  	_ = 	snop  }
0x2b: {  	[hbm4b:s10+s2] =	stream.linear.scatter [tilespmem:s22], [sflag:$0x6], $0xC800, $0x38;
	[tilespmem:$0x19C80] =	vst v63  }
0x2c: {  	_ =	swait.ge [sflag:s18], $0x640  }
0x2d: {  	[sflag:s18] =	ssyncset.done $0x0  }
0x2e: {  	[sflag:s18] =	ssyncadd.s32 $0xFFFFF9C0  }
0x2f: {  	_ =	swait.ge [sflag:s24], $0xC800  }
0x30: {  	[sflag:s24] =	ssyncset.done $0x0  }
0x31: {  	[sflag:s24] =	ssyncadd.s32 $0xFFFF3800  }
0x32: {  	[tilespmem:s19], [sflag:$0x3] =	stream.indirect.gather [hbm4b:s3+s17], $0x20, s2, s17, $0xb8;
	[tilespmem:$0x19C80] =	vst v63  }
0x33: {  	_ =	swait.ge [sflag:s20], $0xC800  }
0x34: {  	[sflag:s20] =	ssyncset.done $0x0  }
0x35: {  	s28 =	sadd.s32 $0x0, s16;
	[sflag:s20] =	ssyncadd.s32 $0xFFFF3800  }
0x36: {  	[tilespmem:s2], [sflag:$0x1] =	stream.linear.gather [hbm4b:s28+s2], $0x640, $0x38;
	[tilespmem:$0x19C80] =	vst v63  }
0x37: {  	_ = 	snop  }
0x38: {  	[hbm4b:s15+s2] =	stream.linear.scatter [tilespmem:s19], [sflag:$0x5], $0xC800, $0x38;
	[tilespmem:$0x19C80] =	vst v63  }
0x39: {  	_ =	swait.ge [sflag:s21], $0x640  }
0x3a: {  	[sflag:s21] =	ssyncset.done $0x0  }
0x3b: {  	[sflag:s21] =	ssyncadd.s32 $0xFFFFF9C0  }
0x3c: {  	_ =	swait.ge [sflag:s25], $0xC800  }
0x3d: {  	[sflag:s25] =	ssyncset.done $0x0  }
0x3e: {  	[sflag:s25] =	ssyncadd.s32 $0xFFFF3800  }
0x3f: {  	[tilespmem:s22], [sflag:$0x4] =	stream.indirect.gather [hbm4b:s3+s17], $0x20, s17, s17, $0xb8;
	[tilespmem:$0x19C80] =	vst v63  }
0x40: {  	_ =	swait.ge [sflag:s23], $0xC800  }
0x41: {  	[sflag:s23] =	ssyncset.done $0x0  }
0x42: {  	s29 =	sadd.s32 $0x3200, s13;
	s28 =	sadd.s32 $0x0, s14;
	[sflag:s23] =	ssyncadd.s32 $0xFFFF3800  }
0x43: {  	[tilespmem:s17], [sflag:$0x2] =	stream.linear.gather [hbm4b:s28+s2], $0x640, $0x38;
	[tilespmem:$0x19C80] =	vst v63  }
0x44: {  	s30 =	sadd.s32 $0x3200, s15;
	s31 =	smov.u32 s13;
	s28 =	simm.s32 $0x190  }
.LBB2_2:
0x45: {  	[hbm4b:s31+s2] =	stream.linear.scatter [tilespmem:s22], [sflag:$0x6], $0xC800, $0x38;
	[tilespmem:$0x19C80] =	vst v63  }
0x46: {  	s1 =	smov.u32 s28;
	s31 =	smov.u32 s29  }
0x47: {  	p0 =	sne.s32 s28, $0x2D50;
	s28 =	sadd.s32 $0x190, s28;
	_ =	swait.ge [sflag:s18], $0x640  }
0x48: {  	[sflag:s18] =	ssyncset.done $0x0  }
0x49: {  	[sflag:s18] =	ssyncadd.s32 $0xFFFFF9C0  }
0x4a: {  	_ =	swait.ge [sflag:s24], $0xC800  }
0x4b: {  	[sflag:s24] =	ssyncset.done $0x0  }
0x4c: {  	[sflag:s24] =	ssyncadd.s32 $0xFFFF3800  }
0x4d: {  	[tilespmem:s19], [sflag:$0x3] =	stream.indirect.gather [hbm4b:s3+s17], $0x20, s2, s17, $0xb8;
	[tilespmem:$0x19C80] =	vst v63  }
0x4e: {  	_ =	swait.ge [sflag:s20], $0xC800  }
0x4f: {  	[sflag:s20] =	ssyncset.done $0x0  }
0x50: {  	s0 =	sadd.s32 s1, s16;
	[sflag:s20] =	ssyncadd.s32 $0xFFFF3800  }
0x51: {  	[tilespmem:s2], [sflag:$0x1] =	stream.linear.gather [hbm4b:s0+s2], $0x640, $0x38;
	[tilespmem:$0x19C80] =	vst v63  }
0x52: {  	_ = 	snop  }
0x53: {  	[hbm4b:s30+s2] =	stream.linear.scatter [tilespmem:s19], [sflag:$0x5], $0xC800, $0x38;
	[tilespmem:$0x19C80] =	vst v63  }
0x54: {  	_ =	swait.ge [sflag:s21], $0x640  }
0x55: {  	[sflag:s21] =	ssyncset.done $0x0  }
0x56: {  	[sflag:s21] =	ssyncadd.s32 $0xFFFFF9C0  }
0x57: {  	_ =	swait.ge [sflag:s25], $0xC800  }
0x58: {  	[sflag:s25] =	ssyncset.done $0x0  }
0x59: {  	[sflag:s25] =	ssyncadd.s32 $0xFFFF3800  }
0x5a: {  	[tilespmem:s22], [sflag:$0x4] =	stream.indirect.gather [hbm4b:s3+s17], $0x20, s17, s17, $0xb8;
	[tilespmem:$0x19C80] =	vst v63  }
.Ltmp0:
0x5b: {  	_ =	swait.ge [sflag:s23], $0xC800;
	(pc) =	sbr.rel @p0 .LBB2_2-.Ltmp0, $4  }
0x5c: {  	[sflag:s23] =	ssyncset.done $0x0  }
0x5d: {  	s0 =	sadd.s32 s1, s14;
	[sflag:s23] =	ssyncadd.s32 $0xFFFF3800  }
0x5e: {  	[tilespmem:s17], [sflag:$0x2] =	stream.linear.gather [hbm4b:s0+s2], $0x640, $0x38;
	[tilespmem:$0x19C80] =	vst v63  }
0x5f: {  	s29 =	sadd.s32 $0x3200, s29;
	s30 =	sadd.s32 $0x3200, s30  }
0x60: {  	[hbm4b:s31+s2] =	stream.linear.scatter [tilespmem:s22], [sflag:$0x6], $0xC800, $0x38;
	[tilespmem:$0x19C80] =	vst v63  }
0x61: {  	_ =	swait.ge [sflag:s18], $0x640  }
0x62: {  	[sflag:s18] =	ssyncset.done $0x0  }
0x63: {  	[sflag:s18] =	ssyncadd.s32 $0xFFFFF9C0  }
0x64: {  	_ =	swait.ge [sflag:s24], $0xC800  }
0x65: {  	[sflag:s24] =	ssyncset.done $0x0  }
0x66: {  	[sflag:s24] =	ssyncadd.s32 $0xFFFF3800  }
0x67: {  	[tilespmem:s19], [sflag:$0x3] =	stream.indirect.gather [hbm4b:s3+s17], $0x20, s2, s17, $0xb8;
	[tilespmem:$0x19C80] =	vst v63  }
0x68: {  	_ =	swait.ge [sflag:s20], $0xC800  }
0x69: {  	[sflag:s20] =	ssyncset.done $0x0  }
0x6a: {  	[sflag:s20] =	ssyncadd.s32 $0xFFFF3800  }
0x6b: {  	[hbm4b:s11+s2] =	stream.linear.scatter [tilespmem:s19], [sflag:$0x5], $0xC800, $0x38;
	[tilespmem:$0x19C80] =	vst v63  }
0x6c: {  	_ =	swait.ge [sflag:s21], $0x640  }
0x6d: {  	[sflag:s21] =	ssyncset.done $0x0  }
0x6e: {  	[sflag:s21] =	ssyncadd.s32 $0xFFFFF9C0  }
0x6f: {  	_ =	swait.ge [sflag:s25], $0xC800  }
0x70: {  	[sflag:s25] =	ssyncset.done $0x0  }
0x71: {  	[sflag:s25] =	ssyncadd.s32 $0xFFFF3800  }
0x72: {  	[tilespmem:s22], [sflag:$0x4] =	stream.indirect.gather [hbm4b:s3+s17], $0x20, s17, s17, $0xb8;
	[tilespmem:$0x19C80] =	vst v63  }
0x73: {  	_ =	swait.ge [sflag:s23], $0xC800  }
0x74: {  	[sflag:s23] =	ssyncset.done $0x0  }
0x75: {  	s26 =	sadd.s32 $0x1, s26;
	[sflag:s23] =	ssyncadd.s32 $0xFFFF3800  }
0x76: {  	[hbm4b:s12+s2] =	stream.linear.scatter [tilespmem:s22], [sflag:$0x6], $0xC800, $0x38;
	[tilespmem:$0x19C80] =	vst v63  }
0x77: {  	p0 =	sne.s32 s26, s6;
	_ =	swait.ge [sflag:s24], $0xC800  }
.Ltmp1:
0x78: {  	[sflag:s24] =	ssyncset.done $0x0;
	(pc) =	sbr.rel @p0 .LBB2_1-.Ltmp1, $4  }
0x79: {  	[sflag:s24] =	ssyncadd.s32 $0xFFFF3800  }
0x7a: {  	_ =	swait.ge [sflag:s25], $0xC800  }
0x7b: {  	[sflag:s25] =	ssyncset.done $0x0  }
0x7c: {  	[sflag:s25] =	ssyncadd.s32 $0xFFFF3800  }
0x7d: {  	_ =	sfence.sel $0x180000  }
0x7e: {  	[bflag:$0x0] =	sbarrier.arrive $0xFFFF  }
0x7f: {  	_ =	strace $0x90000047  }
0x80: {  	s0 =	stileid.u32;
	[bflag:$0x2] =	sbarrier.arrive $0xFFFF  }
0x81: {  	p0 =	sne.s32 s0, $0x0;
	s0 =	rddreg [dreg:$0x3]  }
0x82: {  	s0 =	sadd.s32 @!p0 $0x100000, s0  }
0x83: {  	[sflag:s0] =	ssyncadd.tile.s32 @!p0 $0x1;
	_ =	shalt  }
.Lfunc_end2:
_tile_overlayer_lowered:
.L_overlay_start_2:
0x84: {  	(tag) =	ssettag $0x2  }
0x85: {  	s0 =	rddreg [dreg:$0x0];
	s2 =	stileid.u32  }
0x86: {  	s1 =	rddreg [dreg:$0x1];
	p0 =	sne.s32 s2, $0x0  }
0x87: {  	s3 =	rddreg [dreg:$0x2];
	[bflag:$0x3] =	sbarrier.arrive $0xFFFF;
	s2 =	simm.s32 @!p0 $0x1C07  }
0x88: {  	[timem:s3], [sflag:s2] =	dma.local @!p0 [hbm:s0], s1  }
0x89: {  	s0 =	simm.s32 @!p0 $0x7  }
0x8a: {  	_ =	swait.ge @!p0 [sflag:s0], s1  }
0x8b: {  	s1 =	ssub.s32 @!p0 $0x0, s1;
	[sflag:s0] =	ssyncset.done @!p0 $0x0  }
0x8c: {  	[sflag:s0] =	ssyncadd.s32 @!p0 s1  }
0x8d: {  	[bflag:$0x3] =	sbarrier.arrive $0xFFFF  }
0x8e: {  	_ =	shalt  }

// kernel: sparse-core-data-format-call.cloned.1.call-start
scs
called_computation_lowered:
.L_overlay_start_0:
0x0: {  	s2 =	sld [smem:$0x3FD9]  }
0x1: {  	s3 =	sld [smem:$0x3FFE];
	_ =	sdelay $0x1  }
0x2: {  	s1 =	srdreg.scid  }
0x3: {  	s0 =	sand.u32 $0x1, s1  }
0x4: {  	s18 =	sshll.u32 s0, $0xA;
	s2 =	sadd.s32 s3, s2  }
0x5: {  	s2 =	sadd.s32 s2, s18  }
0x6: {  	[smem:$0x3FC6] =	sst s2  }
0x7: {  	_ = 	snop  }
0x8: {  	s2 =	sld [smem:$0x3FD0];
	(tm) =	ssettm $0x1  }
0x9: {  	s19 =	sld [smem:$0x3FFB];
	_ =	sdelay $0x3  }
0xa: {  	_ =	strace s19  }
0xb: {  	s3 =	sld [smem:$0x3FFC];
	_ =	sdelay $0x3  }
0xc: {  	_ =	strace s3  }
0xd: {  	s3 =	sld [smem:$0x3FFD];
	_ =	sdelay $0x3  }
0xe: {  	_ =	strace s3  }
0xf: {  	_ =	strace $0x8FFFFFFF  }
0x10: {  	s20 =	sld [smem:$0x3FDB];
	_ =	sdelay $0x1  }
0x11: {  	s4 =	simm.s32 $_scs_section_size  }
0x12: {  	s5 =	simm.s32 $_size__tile_overlayer_lowered;
	s6 =	simm.s32 $_tile_overlayer_lowered  }
0x13: {  	s23 =	simm.s32 $0x1BFF;
	s22 =	sshll.u32 s6, $0x1;
	s3 =	sadd.s32 s4, s20  }
0x14: {  	s7 =	simm.s32 $0x0;
	s21 =	sshll.u32 s5, $0x1;
	s5 =	sadd.s32 s22, s3  }
0x15: {  	[timem:s7], [sflag:s23] =	dma.local [hbm:s5], s21  }
0x16: {  	_ =	swait.ge [sflag:s23], s21  }
0x17: {  	s4 =	ssub.s32 $0x0, s21;
	[sflag:s23] =	ssyncset.done $0x0  }
0x18: {  	[sflag:s23] =	ssyncadd.s32 s4;
	_ =	sdelay $0x1  }
0x19: {  	s24 =	simm.s32 $0x1B8B  }
0x1a: {  	_ =	swait.ge [sflag:s24], $0x1  }
0x1b: {  	[sflag:s24] =	ssyncset.done $0x0  }
0x1c: {  	s26 =	simm.s32 $0x1B8E;
	s25 =	sld [smem:$0x3FFE];
	[sflag:s24] =	ssyncadd.s32 $0xFFFFFFFF  }
0x1d: {  	s27 =	simm.s32 $execute0_lowered;
	[smem:$0x3FD2] =	sst s26  }
0x1e: {  	s5 =	sshll.u32 s27, $0x1;
	_ =	strace $0x80000049;
	[dreg:$0x1] =	wrdreg $0xFFFFFFFF  }
0x1f: {  	s28 =	simm.s32 $_size_execute0_lowered;
	s3 =	sadd.s32 s3, s5;
	[dreg:$0x0] =	wrdreg $0x0  }
0x20: {  	s5 =	sshll.u32 s28, $0x1;
	[dreg:$0x2] =	wrdreg s3  }
0x21: {  	[dreg:$0x3] =	wrdreg s5  }
0x22: {  	[dreg:$0x4] =	wrdreg $0xC0  }
0x23: {  	_ =	task [dreg:s7], $0x5FFFF  }
0x24: {  	[dreg:$0x1] =	wrdreg $0xFFFFFFFF  }
0x25: {  	[dreg:$0x0] =	wrdreg $0x60  }
0x26: {  	[dreg:$0x2] =	wrdreg s25  }
0x27: {  	[dreg:$0x3] =	wrdreg s2  }
0x28: {  	[dreg:$0x4] =	wrdreg $0x9  }
0x29: {  	_ =	task.clear_ibuf [dreg:s7], $0x5FFFF;
	_ =	strace $0x90000049  }
0x2a: {  	s29 =	simm.s32 $0x9;
	_ =	strace $0x8000004B  }
0x2b: {  	_ =	swait.ge [sflag:s29], $0x1  }
0x2c: {  	[sflag:s29] =	ssyncadd.s32 $0xFFFFFFFF  }
0x2d: {  	_ =	strace $0x9000004B  }
0x2e: {  	_ =	sfence  }
0x2f: {  	s30 =	sld [smem:$0x0];
	_ =	sdelay $0x2  }
0x30: {  	s31 =	sshll.u32 s1, $0xD;
	s1 =	sshrl.u32 s1, $0x2  }
0x31: {  	s3 =	sand.u32 $0x4000, s31;
	s1 =	sadd.s32 s1, s30  }
0x32: {  	s0 =	sor.u32 s3, s0;
	s1 =	sshll.u32 s1, $0x11  }
0x33: {  	s0 =	sor.u32 s1, s0  }
0x34: {  	s0 =	sadd.s32 $0x8F2B, s0  }
0x35: {  	[sflag:s0] =	ssyncadd.remote.s32 $0x1  }
0x36: {  	_ =	sfence.sel $0xFFFF  }
0x37: {  	[dreg:$0x0] =	wrdreg $0xFFFFFFFF;
	(pc) =	sbr.abs _section_cstart, $3  }
0x38: {  	[dreg:$0x1] =	wrdreg $0xFFFFFFFF  }
0x39: {  	_ =	task.clear_ibuf [dreg:s7], $0x2FFFF;
	_ =	strace $0x9FFFFFFF  }
0x3a: {  	(tm) =	ssettm $0x7FFFFFFF  }
0x3b: {  	_ =	shalt  }
tec
execute0_lowered:
.L_overlay_start_1:
0x0: {  	(tag) =	ssettag $0x1  }
0x1: {  	s0 =	srdreg.scid  }
0x2: {  	s1 =	sshll.u32 s0, $0x4  }
0x3: {  	s4 =	rddreg [dreg:$0x0];
	s0 =	stileid.u32;
	s1 =	sand.u32 $0x10, s1  }
0x4: {  	s2 =	rddreg [dreg:$0x1];
	s7 =	simm.s32 $0x1;
	s1 =	sor.u32 s0, s1  }
0x5: {  	s8 =	simm.s32 $0x2;
	s11 =	simm.s32 $0x0;
	s3 =	sshll.u32 s1, $0x7  }
0x6: {  	s10 =	simm.s32 $0x0;
	s4 =	sadd.s32 $0x800, s4;
	s6 =	ssub.s32 $0x320000, s3  }
.Ltmp0:
0x7: {  	s1 =	rddreg [dreg:$0x2];
	s5 =	sand.u32 $0xF80, s6;
	(pc) =	sbr.rel .LBB1_1-.Ltmp0, $4  }
0x8: {  	_ =	strace $0x8000004A;
	s9 =	smov.u32 s3;
	p0 =	sne.s32 s5, $0x0  }
0x9: {  	s6 =	sshrl.u32 s6, $0xC;
	s5 =	simm.s32 $0x1;
	s7 =	simm.s32 @!p0 $0x0  }
0xa: {  	[sflag:s5] =	ssyncpa.u1 $0x0;
	p0 =	por $0x0, $0x0;
	s6 =	sadd.s32 s7, s6  }
0xb: {  	[sflag:s8] =	ssyncpa.u1 $0x0;
	s8 =	simm.s32 $0x1900000;
	s7 =	sadd.s32 $0x1, s6  }
.LBB1_4:
0xc: {  	s14 =	sshll.u32 s11, $0x3  }
0xd: {  	s30 =	sand.u32 $0x7F, s11;
	s15 =	sand.u32 $0xFFFFFC00, s14  }
0xe: {  	s11 =	sor.u32 s30, s15  }
0xf: {  	s15 =	smulhi.u32 $0x51EB851F, s11  }
0x10: {  	s14 =	smulhi.u32 $0x51EB851F, s14  }
0x11: {  	s15 =	sshrl.u32 s15, $0x14  }
0x12: {  	s14 =	sshrl.u32 s14, $0x14;
	s15 =	smul.u32 $0x320000, s15  }
0x13: {  	s14 =	sand.u32 $0x1F, s14  }
0x14: {  	s14 =	smul.u32 $0x64000, s14;
	s11 =	ssub.s32 s11, s15  }
0x15: {  	s15 =	sand.u32 $0x7, s11  }
0x16: {  	s14 =	sadd.s32 s2, s14;
	s11 =	sshrl.u32 s11, $0x3;
	s15 =	sshll.u32 s15, $0x12  }
0x17: {  	[tilespmem:s13+$0x0 ss:$0x81] =	vst.msk $0xffff, v0;
	s11 =	sadd.s32 s11, s14;
	s31 =	sor.u32 $0x400, s15  }
0x18: {  	[hbm4b:s11+s31] =	stream.strided.scatter [tilespmem:s12], [sflag:$0x2], $0x1000, s8, s31, $0x20;
	[tilespmem:$0x4040] =	vst v63  }
.LBB1_5:
0x19: {  	s13 =	sadd.s32 $0x1000, s9  }
0x1a: {  	p2 =	sgt.s32 s13, $0x31FFFF  }
0x1b: {  	s13 =	smov.u32 @p2 s3;
	p2 =	sne.s32 s10, s7  }
.Ltmp1:
0x1c: {  	p1 =	slt.u32 s10, $0x2;
	(pc) =	sbr.rel @!p2 .LBB1_6-.Ltmp1, $4  }
0x1d: {  	s12 =	simm.s32 @!p1 $0x2  }
0x1e: {  	s14 =	sadd.s32 $0x1, s10;
	_ =	swait.ge @!p1 [sflag:s12], $0x1000  }
0x1f: {  	s11 =	smov.u32 s9;
	p0 =	por !p0, !p0;
	[sflag:s12] =	ssyncset.done @!p1 $0x0  }
0x20: {  	s10 =	smov.u32 s14;
	s9 =	smov.u32 s13;
	[sflag:s12] =	ssyncadd.s32 @!p1 $0xFFFFF000  }
.LBB1_1:
0x21: {  	p1 =	sge.u32 s10, s6  }
0x22: {  	s12 =	sand.u32 @!p1 $0x1FFFFFF, s9  }
0x23: {  	s13 =	smulhi.u32 @!p1 $0x147AE15, s12;
	_ =	sdelay $0x1  }
0x24: {  	s13 =	sshrl.u32 @!p1 s13, $0xE  }
0x25: {  	s13 =	smul.u32 @!p1 $0x320000, s13;
	_ =	sdelay $0x1  }
0x26: {  	s31 =	sadd.s32 $0xFFFFFFFF, s10;
	s14 =	sxor.u32 @!p1 $0xFFFFFFFF, s10;
	s12 =	ssub.s32 @!p1 s12, s13  }
0x27: {  	s15 =	simm.s32 @!p1 $0x80;
	s14 =	sshll.u32 @!p1 s14, $0xC;
	s12 =	sshll.u32 @!p1 s12, $0x4  }
0x28: {  	s13 =	sand.u32 @!p1 $0x1000, s14;
	s14 =	simm.s32 @!p1 $0x20;
	s12 =	sadd.s32 @!p1 s4, s12  }
0x29: {  	[tilespmem:s13], [sflag:$0x1] =	stream.strided.gather @!p1 [hbm4b:s12+s14], $0x1000, s15, s14, $0x38;
	[tilespmem:$0x4040] =	vst v63  }
0x2a: {  	p1 =	sge.u32 s31, s6  }
.Ltmp2:
0x2b: {  	_ = 	snop;
	(pc) =	sbr.rel @p1 .LBB1_5-.Ltmp2, $1  }
0x2c: {  	_ =	sdelay $0x3  }
0x2d: {  	s12 =	simm.s32 $0x1  }
0x2e: {  	_ =	swait.ge [sflag:s5], $0x1000;
	s12 =	simm.s32 @!p0 $0x0  }
0x2f: {  	[sflag:s5] =	ssyncset.done $0x0;
	s13 =	sshll.u32 s12, $0xC  }
0x30: {  	[sflag:s5] =	ssyncadd.s32 $0xFFFFF000;
	s16 =	sor.u32 $0x10, s13  }
0x31: {  	s12 =	smul.u32 $0x4080, s12;
	v1 =	vld [tilespmem:s16+$0x0]  }
0x32: {  	s30 =	sand.u32 $0x1, s10;
	v0 =	vld [tilespmem:s16+$0xFFFFFFF0]  }
0x33: {  	s13 =	smul.u32 $0x4080, s30;
	s12 =	sshrl.u32 s12, $0x2  }
0x34: {  	s14 =	sor.u32 $0x2000, s12  }
0x35: {  	s31 =	sshrl.u32 s13, $0x2;
	s13 =	sadd.s32 $0x0, s14  }
0x36: {  	s15 =	simm.s32 $0x4;
	s16 =	sadd.s32 $0x20, s16;
	s12 =	sor.u32 $0x2000, s31;
	[tilespmem:s13+$0x810 ss:$0x81] =	vst.msk $0xffff, v1  }
.LBB1_3:
0x37: {  	v1 =	vld [tilespmem:s16+$0x0];
	p1 =	sne.s32 s15, $0x1FC;
	[tilespmem:s13+$0x0 ss:$0x81] =	vst.msk $0xffff, v0;
	s13 =	smov.u32 s15;
	s15 =	sadd.s32 $0x4, s15  }
.Ltmp3:
0x38: {  	v0 =	vld [tilespmem:s16+$0xFFFFFFF0];
	(pc) =	sbr.rel @p1 .LBB1_3-.Ltmp3, $4  }
0x39: {  	_ = 	snop  }
0x3a: {  	s13 =	sshra.s32 s13, $0x2  }
0x3b: {  	s13 =	sadd.s32 s13, s14  }
0x3c: {  	s16 =	sadd.s32 $0x20, s16;
	[tilespmem:s13+$0x810 ss:$0x81] =	vst.msk $0xffff, v1  }
.Ltmp4:
0x3d: {  	_ = 	snop;
	(pc) =	sbr.rel .LBB1_4-.Ltmp4, $1  }
0x3e: {  	_ =	sdelay $0x3  }
.LBB1_6:
0x3f: {  	_ =	sfence.sel $0x180000  }
0x40: {  	s2 =	simm.s32 $0x1;
	[bflag:$0x0] =	sbarrier.arrive $0xFFFF  }
0x41: {  	s31 =	simm.s32 $0x2;
	[sflag:s2] =	ssyncpa.u1 $0x1  }
0x42: {  	[sflag:s31] =	ssyncpa.u1 $0x1  }
0x43: {  	p0 =	sne.s32 s0, $0x0;
	_ =	strace $0x9000004A  }
0x44: {  	s0 =	sadd.s32 @!p0 $0x100000, s1;
	[bflag:$0x2] =	sbarrier.arrive $0xFFFF  }
0x45: {  	[sflag:s0] =	ssyncadd.tile.s32 @!p0 $0x1;
	_ =	shalt  }
.Lfunc_end1:
_tile_overlayer_lowered:
.L_overlay_start_2:
0x46: {  	(tag) =	ssettag $0x2  }
0x47: {  	s0 =	rddreg [dreg:$0x0];
	s2 =	stileid.u32  }
0x48: {  	s1 =	rddreg [dreg:$0x1];
	p0 =	sne.s32 s2, $0x0  }
0x49: {  	s3 =	rddreg [dreg:$0x2];
	[bflag:$0x3] =	sbarrier.arrive $0xFFFF;
	s2 =	simm.s32 @!p0 $0x1C01  }
0x4a: {  	[timem:s3], [sflag:s2] =	dma.local @!p0 [hbm:s0], s1  }
0x4b: {  	s0 =	simm.s32 @!p0 $0x1  }
0x4c: {  	_ =	swait.ge @!p0 [sflag:s0], s1  }
0x4d: {  	s1 =	ssub.s32 @!p0 $0x0, s1;
	[sflag:s0] =	ssyncset.done @!p0 $0x0  }
0x4e: {  	[sflag:s0] =	ssyncadd.s32 @!p0 s1  }
0x4f: {  	[bflag:$0x3] =	sbarrier.arrive $0xFFFF  }
0x50: {  	_ =	shalt  }

</sc_bundles>
